<compile_context>
chip_gen: v7x
topology: tpu7x:2x2x1
jax: 0.10.2.dev20260603
libtpu: 0.0.44.dev20260713+nightly
codegen_flags: <defaults>
</compile_context>

<pallas_src>
import functools

import jax
import jax.numpy as jnp
from jax import lax
from jax.experimental import pallas as pl
from jax.experimental.pallas import tpu as pltpu
from jax.experimental.pallas import tpu_sc as plsc

VOCAB = 1000000
EMB_DIM = 64
BATCH = 16384

_NW = 32
_CW = 512
_MAIN_V = 999936
_NCHUNKS = _MAIN_V // _CW
_NL = 62

_mesh = plsc.VectorSubcoreMesh(core_axis_name="c", subcore_axis_name="s")


@functools.partial(
    pl.kernel,
    out_type=jax.ShapeDtypeStruct((BATCH * EMB_DIM,), jnp.float32),
    mesh=_mesh,
    scratch_types=[
        pltpu.VMEM((3, EMB_DIM, _CW), jnp.float32),
        pltpu.SemaphoreType.DMA,
    ],
    compiler_params=pltpu.CompilerParams(needs_layout_passes=False),
)
def _gather(idx_hbm, table_hbm, out_hbm, chunkbuf, sem_ch):
    w = lax.axis_index("s") * 2 + lax.axis_index("c")
    for t in range(2):
        v0 = pl.multiple_of((t * _NW + w) * _CW, _CW)
        pltpu.async_copy(table_hbm.at[:, pl.ds(v0, _CW)],
                         chunkbuf.at[t], sem_ch)

    def chunk_body(l, par):
        c = l * _NW + w

        @pl.when(c < _NCHUNKS)
        def _():
            pltpu.make_async_copy(table_hbm.at[:, pl.ds(0, _CW)],
                                  chunkbuf.at[par], sem_ch).wait()
            cn = c + 2 * _NW

            @pl.when(cn < _NCHUNKS)
            def _():
                vn = pl.multiple_of(cn * _CW, _CW)
                nxt = jnp.where(par + 2 >= 3, par - 1, par + 2)
                pltpu.async_copy(table_hbm.at[:, pl.ds(vn, _CW)],
                                 chunkbuf.at[nxt], sem_ch)
        return jnp.where(par + 1 >= 3, 0, par + 1)

    lax.fori_loop(0, _NL, chunk_body, jnp.int32(0))
    pltpu.sync_copy(chunkbuf.at[0, 0], out_hbm.at[pl.ds(0, _CW)])


def kernel(node_idx, emb):
    idx = node_idx.astype(jnp.int32)
    flat = _gather(idx, emb.T)
    return flat.reshape(BATCH, EMB_DIM)

# --- scband reference (transcript-rebuilt; emitter-appended) ---
"""Pipeline reference for scband-node-id-feature-encoder-9938554323117 (READ-ONLY COPY).

The authoritative reference and input builder live on the scoring server;
editing this copy changes nothing except your own understanding.
"""

import jax, jax.numpy as jnp
import numpy as np

VOCAB = 1000000
EMB_DIM = 64
BATCH = 16384


def setup_inputs(seed: int = 0) -> dict:
    key = jax.random.key(seed)
    k_idx, k_emb = jax.random.split(key)
    node_idx = jax.random.randint(k_idx, (BATCH,), 0, VOCAB, dtype=jnp.int64 if jax.config.jax_enable_x64 else jnp.int32)
    emb = jax.random.normal(k_emb, (VOCAB, EMB_DIM), dtype=jnp.float32)
    return {"node_idx": node_idx, "emb": emb}


def reference(node_idx, emb):
    # NodeIdFeatureEncoder.forward: return self.emb[node_idx]
    return jnp.take(emb, node_idx, axis=0)

if __name__ == "__main__":
    import jax
    _d = setup_inputs()
    print(jax.jit(kernel)(*tuple(_d.values())))

</pallas_src>

<mosaic_0001>
#map = affine_map<(d0, d1) -> (0)>
#map1 = affine_map<(d0, d1) -> (0, 0)>
module attributes {stable_mosaic.version = 14 : i64} {
  func.func @_gather(%arg0: i32, %arg1: i32, %arg2: memref<16384xi32, #tpu.memory_space<hbm>>, %arg3: memref<64x1000000xf32, #tpu.memory_space<hbm>>, %arg4: memref<1048576xf32, #tpu.memory_space<hbm>>, %arg5: memref<3x64x512xf32, #tpu.memory_space<vmem>>, %arg6: memref<!tpu.dma_semaphore, #tpu.memory_space<semaphore_mem>>) attributes {dimension_semantics = [#tpu.dimension_semantics<core_parallel>, #tpu.dimension_semantics<subcore_parallel>], iteration_bounds = array<i64: 2, 16>, scalar_prefetch = 0 : i64, scratch_operands = 2 : i64, tpu.core_type = #tpu.core_type<sc_vector_subcore>, window_params = [{transform_indices = #map}, {transform_indices = #map1}, {transform_indices = #map}]} {
    %mul3A = arith.constant 2 : i32
    %mul3A_0 = arith.muli %arg1, %mul3A : i32
    %add3A = arith.addi %mul3A_0, %arg0 : i32
    %add3A_1 = arith.constant 0 : i32
    %add3A_2 = arith.addi %add3A_1, %add3A : i32
    %mul3A_3 = arith.constant 512 : i32
    %mul3A_4 = arith.muli %add3A_2, %mul3A_3 : i32
    %multiple_of3A = tpu.assume_multiple %mul3A_4, 512 : i32
    %dma_start3A = arith.constant 0 : i32
    %dma_start3A_5 = arith.constant 0 : i32
    %dma_start3A_6 = arith.constant 0 : i32
    %dma_start3A_7 = tpu.memref_slice %arg5[%dma_start3A, %dma_start3A_5, %dma_start3A_6] : memref<3x64x512xf32, #tpu.memory_space<vmem>> -> memref<1x64x512xf32, #tpu.memory_space<vmem>>
    %dma_start3A_8 = tpu.memref_squeeze %dma_start3A_7 : memref<1x64x512xf32, #tpu.memory_space<vmem>> -> memref<64x512xf32, #tpu.memory_space<vmem>>
    %dma_start3A_9 = arith.constant 0 : i32
    %dma_start3A_10 = tpu.memref_slice %arg3[%dma_start3A_9, %multiple_of3A] : memref<64x1000000xf32, #tpu.memory_space<hbm>> -> memref<64x512xf32, #tpu.memory_space<hbm>>
    %dma_start3A_11 = arith.constant 0 : i32
    %dma_start3A_12 = arith.constant 0 : i32
    %dma_start3A_13 = tpu.memref_slice %arg5[%dma_start3A, %dma_start3A_11, %dma_start3A_12] : memref<3x64x512xf32, #tpu.memory_space<vmem>> -> memref<1x64x512xf32, #tpu.memory_space<vmem>>
    %dma_start3A_14 = tpu.memref_squeeze %dma_start3A_13 : memref<1x64x512xf32, #tpu.memory_space<vmem>> -> memref<64x512xf32, #tpu.memory_space<vmem>>
    %dma_start3A_15 = arith.constant 0 : i32
    %dma_start3A_16 = tpu.memref_slice %arg3[%dma_start3A_15, %multiple_of3A] : memref<64x1000000xf32, #tpu.memory_space<hbm>> -> memref<64x512xf32, #tpu.memory_space<hbm>>
    tpu.enqueue_dma source(%dma_start3A_16 : memref<64x512xf32, #tpu.memory_space<hbm>>) target(%dma_start3A_14 : memref<64x512xf32, #tpu.memory_space<vmem>>) target_semaphore(%arg6 : memref<!tpu.dma_semaphore, #tpu.memory_space<semaphore_mem>>)
    %add3A_17 = arith.constant 32 : i32
    %add3A_18 = arith.addi %add3A_17, %add3A : i32
    %mul3A_19 = arith.constant 512 : i32
    %mul3A_20 = arith.muli %add3A_18, %mul3A_19 : i32
    %multiple_of3A_21 = tpu.assume_multiple %mul3A_20, 512 : i32
    %dma_start3A_22 = arith.constant 1 : i32
    %dma_start3A_23 = arith.constant 0 : i32
    %dma_start3A_24 = arith.constant 0 : i32
    %dma_start3A_25 = tpu.memref_slice %arg5[%dma_start3A_22, %dma_start3A_23, %dma_start3A_24] : memref<3x64x512xf32, #tpu.memory_space<vmem>> -> memref<1x64x512xf32, #tpu.memory_space<vmem>>
    %dma_start3A_26 = tpu.memref_squeeze %dma_start3A_25 : memref<1x64x512xf32, #tpu.memory_space<vmem>> -> memref<64x512xf32, #tpu.memory_space<vmem>>
    %dma_start3A_27 = arith.constant 0 : i32
    %dma_start3A_28 = tpu.memref_slice %arg3[%dma_start3A_27, %multiple_of3A_21] : memref<64x1000000xf32, #tpu.memory_space<hbm>> -> memref<64x512xf32, #tpu.memory_space<hbm>>
    %dma_start3A_29 = arith.constant 0 : i32
    %dma_start3A_30 = arith.constant 0 : i32
    %dma_start3A_31 = tpu.memref_slice %arg5[%dma_start3A_22, %dma_start3A_29, %dma_start3A_30] : memref<3x64x512xf32, #tpu.memory_space<vmem>> -> memref<1x64x512xf32, #tpu.memory_space<vmem>>
    %dma_start3A_32 = tpu.memref_squeeze %dma_start3A_31 : memref<1x64x512xf32, #tpu.memory_space<vmem>> -> memref<64x512xf32, #tpu.memory_space<vmem>>
    %dma_start3A_33 = arith.constant 0 : i32
    %dma_start3A_34 = tpu.memref_slice %arg3[%dma_start3A_33, %multiple_of3A_21] : memref<64x1000000xf32, #tpu.memory_space<hbm>> -> memref<64x512xf32, #tpu.memory_space<hbm>>
    tpu.enqueue_dma source(%dma_start3A_34 : memref<64x512xf32, #tpu.memory_space<hbm>>) target(%dma_start3A_32 : memref<64x512xf32, #tpu.memory_space<vmem>>) target_semaphore(%arg6 : memref<!tpu.dma_semaphore, #tpu.memory_space<semaphore_mem>>)
    %scan3A = arith.constant 0 : i32
    %scan3A_35 = arith.constant 0 : i32
    %scan3A_36 = arith.constant 62 : i32
    %scan3A_37 = arith.addi %scan3A_35, %scan3A_36 : i32
    %scan3A_38 = arith.constant 1 : i32
    %scan3A_39 = scf.for %scan3A_42 = %scan3A_35 to %scan3A_37 step %scan3A_38 iter_args(%scan3A_43 = %scan3A) -> (i32)  : i32 {
      %mul3A_44 = arith.constant 32 : i32
      %mul3A_45 = arith.muli %scan3A_42, %mul3A_44 : i32
      %add3A_46 = arith.addi %mul3A_45, %add3A : i32
      %lt3A = arith.constant 1953 : i32
      %lt3A_47 = arith.cmpi slt, %add3A_46, %lt3A : i32
      %convert_element_type3A = arith.extui %lt3A_47 : i1 to i32
      %cond3A = arith.constant 0 : i32
      %cond3A_48 = arith.cmpi ne, %convert_element_type3A, %cond3A : i32
      scf.if %cond3A_48 {
        %dma_wait3A = arith.constant 0 : i32
        %dma_wait3A_54 = arith.constant 0 : i32
        %dma_wait3A_55 = tpu.memref_slice %arg5[%scan3A_43, %dma_wait3A, %dma_wait3A_54] : memref<3x64x512xf32, #tpu.memory_space<vmem>> -> memref<1x64x512xf32, #tpu.memory_space<vmem>>
        %dma_wait3A_56 = tpu.memref_squeeze %dma_wait3A_55 : memref<1x64x512xf32, #tpu.memory_space<vmem>> -> memref<64x512xf32, #tpu.memory_space<vmem>>
        %dma_wait3A_57 = arith.constant 0 : i32
        %dma_wait3A_58 = arith.constant 0 : i32
        %dma_wait3A_59 = tpu.memref_slice %arg3[%dma_wait3A_57, %dma_wait3A_58] : memref<64x1000000xf32, #tpu.memory_space<hbm>> -> memref<64x512xf32, #tpu.memory_space<hbm>>
        %dma_wait3A_60 = arith.constant 0 : i32
        %dma_wait3A_61 = arith.constant 0 : i32
        %dma_wait3A_62 = tpu.memref_slice %arg5[%scan3A_43, %dma_wait3A_60, %dma_wait3A_61] : memref<3x64x512xf32, #tpu.memory_space<vmem>> -> memref<1x64x512xf32, #tpu.memory_space<vmem>>
        %dma_wait3A_63 = tpu.memref_squeeze %dma_wait3A_62 : memref<1x64x512xf32, #tpu.memory_space<vmem>> -> memref<64x512xf32, #tpu.memory_space<vmem>>
        %dma_wait3A_64 = arith.constant 0 : i32
        %dma_wait3A_65 = arith.constant 0 : i32
        %dma_wait3A_66 = tpu.memref_slice %arg3[%dma_wait3A_64, %dma_wait3A_65] : memref<64x1000000xf32, #tpu.memory_space<hbm>> -> memref<64x512xf32, #tpu.memory_space<hbm>>
        tpu.wait_dma2 semaphore(%arg6 : memref<!tpu.dma_semaphore, #tpu.memory_space<semaphore_mem>>) src(%dma_wait3A_66 : memref<64x512xf32, #tpu.memory_space<hbm>>) dst(%dma_wait3A_63 : memref<64x512xf32, #tpu.memory_space<vmem>>)
        %add3A_67 = arith.constant 64 : i32
        %add3A_68 = arith.addi %add3A_46, %add3A_67 : i32
        %lt3A_69 = arith.constant 1953 : i32
        %lt3A_70 = arith.cmpi slt, %add3A_68, %lt3A_69 : i32
        %convert_element_type3A_71 = arith.extui %lt3A_70 : i1 to i32
        %cond3A_72 = arith.constant 0 : i32
        %cond3A_73 = arith.cmpi ne, %convert_element_type3A_71, %cond3A_72 : i32
        scf.if %cond3A_73 {
          %mul3A_74 = arith.constant 512 : i32
          %mul3A_75 = arith.muli %add3A_68, %mul3A_74 : i32
          %multiple_of3A_76 = tpu.assume_multiple %mul3A_75, 512 : i32
          %add3A_77 = arith.constant 2 : i32
          %add3A_78 = arith.addi %scan3A_43, %add3A_77 : i32
          %ge3A_79 = arith.constant 3 : i32
          %ge3A_80 = arith.cmpi sge, %add3A_78, %ge3A_79 : i32
          %sub3A = arith.constant 1 : i32
          %sub3A_81 = arith.subi %scan3A_43, %sub3A : i32
          %add3A_82 = arith.constant 2 : i32
          %add3A_83 = arith.addi %scan3A_43, %add3A_82 : i32
          %select_n3A_84 = arith.select %ge3A_80, %sub3A_81, %add3A_83 : i32
          %dma_start3A_85 = arith.constant 0 : i32
          %dma_start3A_86 = arith.constant 0 : i32
          %dma_start3A_87 = tpu.memref_slice %arg5[%select_n3A_84, %dma_start3A_85, %dma_start3A_86] : memref<3x64x512xf32, #tpu.memory_space<vmem>> -> memref<1x64x512xf32, #tpu.memory_space<vmem>>
          %dma_start3A_88 = tpu.memref_squeeze %dma_start3A_87 : memref<1x64x512xf32, #tpu.memory_space<vmem>> -> memref<64x512xf32, #tpu.memory_space<vmem>>
          %dma_start3A_89 = arith.constant 0 : i32
          %dma_start3A_90 = tpu.memref_slice %arg3[%dma_start3A_89, %multiple_of3A_76] : memref<64x1000000xf32, #tpu.memory_space<hbm>> -> memref<64x512xf32, #tpu.memory_space<hbm>>
          %dma_start3A_91 = arith.constant 0 : i32
          %dma_start3A_92 = arith.constant 0 : i32
          %dma_start3A_93 = tpu.memref_slice %arg5[%select_n3A_84, %dma_start3A_91, %dma_start3A_92] : memref<3x64x512xf32, #tpu.memory_space<vmem>> -> memref<1x64x512xf32, #tpu.memory_space<vmem>>
          %dma_start3A_94 = tpu.memref_squeeze %dma_start3A_93 : memref<1x64x512xf32, #tpu.memory_space<vmem>> -> memref<64x512xf32, #tpu.memory_space<vmem>>
          %dma_start3A_95 = arith.constant 0 : i32
          %dma_start3A_96 = tpu.memref_slice %arg3[%dma_start3A_95, %multiple_of3A_76] : memref<64x1000000xf32, #tpu.memory_space<hbm>> -> memref<64x512xf32, #tpu.memory_space<hbm>>
          tpu.enqueue_dma source(%dma_start3A_96 : memref<64x512xf32, #tpu.memory_space<hbm>>) target(%dma_start3A_94 : memref<64x512xf32, #tpu.memory_space<vmem>>) target_semaphore(%arg6 : memref<!tpu.dma_semaphore, #tpu.memory_space<semaphore_mem>>)
        } else {
        }
      } else {
      }
      %add3A_49 = arith.constant 1 : i32
      %add3A_50 = arith.addi %scan3A_43, %add3A_49 : i32
      %ge3A = arith.constant 3 : i32
      %ge3A_51 = arith.cmpi sge, %add3A_50, %ge3A : i32
      %add3A_52 = arith.constant 1 : i32
      %add3A_53 = arith.addi %scan3A_43, %add3A_52 : i32
      %jit3A = arith.constant 0 : i32
      %select_n3A = arith.select %ge3A_51, %jit3A, %add3A_53 : i32
      scf.yield %select_n3A : i32
    }
    %scan3A_40 = arith.constant 62 : i32
    %run_scoped3A = arith.constant 0 : i32
    %run_scoped3A_41 = arith.constant 0 : i32
    "tpu.region"() ({
      %run_scoped3A_42 = tpu.sem_alloc : memref<!tpu.dma_semaphore, #tpu.memory_space<semaphore_mem>>
      %dma_start3A_43 = arith.constant 0 : i32
      %dma_start3A_44 = tpu.memref_slice %arg5[%run_scoped3A, %run_scoped3A_41, %dma_start3A_43] : memref<3x64x512xf32, #tpu.memory_space<vmem>> -> memref<1x1x512xf32, #tpu.memory_space<vmem>>
      %dma_start3A_45 = tpu.memref_squeeze %dma_start3A_44 : memref<1x1x512xf32, #tpu.memory_space<vmem>> -> memref<512xf32, #tpu.memory_space<vmem>>
      %dma_start3A_46 = arith.constant 0 : i32
      %dma_start3A_47 = tpu.memref_slice %arg4[%dma_start3A_46] : memref<1048576xf32, #tpu.memory_space<hbm>> -> memref<512xf32, #tpu.memory_space<hbm>>
      %dma_start3A_48 = arith.constant 0 : i32
      %dma_start3A_49 = tpu.memref_slice %arg4[%dma_start3A_48] : memref<1048576xf32, #tpu.memory_space<hbm>> -> memref<512xf32, #tpu.memory_space<hbm>>
      %dma_start3A_50 = arith.constant 0 : i32
      %dma_start3A_51 = tpu.memref_slice %arg5[%run_scoped3A, %run_scoped3A_41, %dma_start3A_50] : memref<3x64x512xf32, #tpu.memory_space<vmem>> -> memref<1x1x512xf32, #tpu.memory_space<vmem>>
      %dma_start3A_52 = tpu.memref_squeeze %dma_start3A_51 : memref<1x1x512xf32, #tpu.memory_space<vmem>> -> memref<512xf32, #tpu.memory_space<vmem>>
      tpu.enqueue_dma source(%dma_start3A_52 : memref<512xf32, #tpu.memory_space<vmem>>) target(%dma_start3A_49 : memref<512xf32, #tpu.memory_space<hbm>>) target_semaphore(%run_scoped3A_42 : memref<!tpu.dma_semaphore, #tpu.memory_space<semaphore_mem>>)
      %dma_wait3A = arith.constant 0 : i32
      %dma_wait3A_53 = tpu.memref_slice %arg5[%run_scoped3A, %run_scoped3A_41, %dma_wait3A] : memref<3x64x512xf32, #tpu.memory_space<vmem>> -> memref<1x1x512xf32, #tpu.memory_space<vmem>>
      %dma_wait3A_54 = tpu.memref_squeeze %dma_wait3A_53 : memref<1x1x512xf32, #tpu.memory_space<vmem>> -> memref<512xf32, #tpu.memory_space<vmem>>
      %dma_wait3A_55 = arith.constant 0 : i32
      %dma_wait3A_56 = tpu.memref_slice %arg4[%dma_wait3A_55] : memref<1048576xf32, #tpu.memory_space<hbm>> -> memref<512xf32, #tpu.memory_space<hbm>>
      %dma_wait3A_57 = arith.constant 0 : i32
      %dma_wait3A_58 = tpu.memref_slice %arg4[%dma_wait3A_57] : memref<1048576xf32, #tpu.memory_space<hbm>> -> memref<512xf32, #tpu.memory_space<hbm>>
      %dma_wait3A_59 = arith.constant 0 : i32
      %dma_wait3A_60 = tpu.memref_slice %arg5[%run_scoped3A, %run_scoped3A_41, %dma_wait3A_59] : memref<3x64x512xf32, #tpu.memory_space<vmem>> -> memref<1x1x512xf32, #tpu.memory_space<vmem>>
      %dma_wait3A_61 = tpu.memref_squeeze %dma_wait3A_60 : memref<1x1x512xf32, #tpu.memory_space<vmem>> -> memref<512xf32, #tpu.memory_space<vmem>>
      tpu.wait_dma2 semaphore(%run_scoped3A_42 : memref<!tpu.dma_semaphore, #tpu.memory_space<semaphore_mem>>) src(%dma_wait3A_61 : memref<512xf32, #tpu.memory_space<vmem>>) dst(%dma_wait3A_58 : memref<512xf32, #tpu.memory_space<hbm>>)
      tpu.yield
    }) : () -> ()
    return
  }
}

</mosaic_0001>

<sc_bundles>
// kernel: kernel.3.cloned.1.call-start
scs
__scs_entry_jumppad:
0x0: {  	(pc) =	sbr.rel $0x88, $3  }
0x1: {  	(tag) =	ssettag $0x0;
	lr =	simm.s32 $0x1  }
0x2: {  	[smem:$0x3F9F] =	sst lr;
	_ =	strace $0xD0000000  }
0x3: {  	_ = 	snop  }
0x4: {  	_ = 	snop  }
0x5: {  	_ = 	snop  }
0x6: {  	_ = 	snop  }
0x7: {  	_ = 	snop  }
__scs_overlays_trampoline_lowered:
0x8: {  	[smem:$0x3FAE] =	sst s0  }
0x9: {  	[smem:$0x3FAF] =	sst s1  }
0xa: {  	[smem:$0x3FB0] =	sst s2  }
0xb: {  	[smem:$0x3FB1] =	sst s3  }
0xc: {  	[smem:$0x3FB2] =	sst s4  }
0xd: {  	[smem:$0x3FB3] =	sst s5  }
0xe: {  	[smem:$0x3FB4] =	sst s6  }
0xf: {  	[smem:$0x3FB5] =	sst s7  }
0x10: {  	[smem:$0x3FB6] =	sst s8  }
0x11: {  	[smem:$0x3FB7] =	sst s9;
	s0 =	simm.s32 @!p0 $0x0  }
0x12: {  	s1 =	sld [smem:$0x3F9D];
	s0 =	simm.s32 @p0 $0x1  }
0x13: {  	[smem:$0x3FB8] =	sst s0;
	s0 =	simm.s32 @!p1 $0x0  }
0x14: {  	s2 =	sld [smem:$0x3F9C];
	s0 =	simm.s32 @p1 $0x1  }
0x15: {  	[smem:$0x3FB9] =	sst s0;
	s0 =	simm.s32 @!p2 $0x0  }
0x16: {  	s3 =	sld [smem:$0x3FDB];
	s0 =	simm.s32 @p2 $0x1  }
0x17: {  	s4 =	simm.s32 $0x1BF5;
	[smem:$0x3FBB] =	sst s0  }
0x18: {  	s0 =	sld [smem:$0x3F9E];
	_ =	swait.ge [sflag:s4], $0x0  }
0x19: {  	s7 =	sld [smem:$0x3F9F]  }
0x1a: {  	s8 =	sadd.s32 $0xFFFFE003, lr  }
0x1b: {  	s9 =	sadd.s32 $0xFFFFFEF7, lr;
	s5 =	simm.s32 $0xFFFFFFFF;
	p2 =	slt.u32 s8, $0xFFFFF086  }
0x1c: {  	p1 =	slt.u32 s9, $0xF7A;
	s5 =	simm.s32 @!p2 $0x0  }
0x1d: {  	s5 =	simm.s32 @p1 $0x1;
	p0 =	seq.s32 s7, s2  }
0x1e: {  	s7 =	smul.u32 @!p0 $0xF7A, s2;
	p2 =	seq.s32 @!p0 s5, $0x0  }
0x1f: {  	s9 =	smul.u32 $0xF7A, s1;
	s8 =	simm.s32 @!p0 $0x1BF5;
	p2 =	por !p2, p0  }
0x20: {  	[sflag:s8] =	ssyncset.s32 @!p0 $0xFFFFF086;
	s6 =	sadd.s32 @!p0 s3, s7;
	s7 =	simm.s32 @!p0 $0x108  }
0x21: {  	s3 =	sadd.s32 s3, s9;
	s6 =	sadd.s32 @!p0 $0x88, s6;
	s7 =	simm.s32 @p2 $0x1082  }
0x22: {  	[simem:s7], [sflag:s8] =	dma.local @!p0 [hbm:s6], $0xF7A  }
0x23: {  	s9 =	sor.u32 $0xD0000000, s2;
	s6 =	simm.s32 $0x108;
	_ =	swait.ge @!p0 [sflag:s8], $0x0  }
0x24: {  	s3 =	sadd.s32 $0x88, s3;
	s6 =	simm.s32 @!p1 $0x1082;
	[sflag:s4] =	ssyncset.s32 $0xFFFFF086  }
0x25: {  	[simem:s6], [sflag:s4] =	dma.local [hbm:s3], $0xF7A  }
0x26: {  	[smem:$0x3F9F] =	sst s1;
	(tag) =	ssettag s2;
	_ =	strace s9  }
0x27: {  	s1 =	sld [smem:$0x3FAF]  }
0x28: {  	s2 =	sld [smem:$0x3FB0]  }
0x29: {  	s4 =	sld [smem:$0x3FB2]  }
0x2a: {  	p0 =	seq.s32 s5, $0x0;
	s5 =	sld [smem:$0x3FB3]  }
0x2b: {  	s6 =	sld [smem:$0x3FB4]  }
0x2c: {  	s7 =	sld [smem:$0x3FB5]  }
0x2d: {  	s3 =	simm.s32 $0x108;
	s8 =	sld [smem:$0x3FB6]  }
0x2e: {  	s3 =	simm.s32 @!p0 $0x1082;
	s9 =	sld [smem:$0x3FB7]  }
0x2f: {  	lr =	sadd.s32 s0, s3;
	s0 =	sld [smem:$0x3FAE]  }
0x30: {  	s3 =	sld [smem:$0x3FB1]  }
0x31: {  	[smem:$0x3FBA] =	sst s10  }
0x32: {  	s10 =	sld [smem:$0x3FB8];
	_ =	sdelay $0x3  }
0x33: {  	p0 =	seq.s32 s10, $0x1;
	s10 =	sld [smem:$0x3FBA];
	_ =	sdelay $0x3  }
0x34: {  	[smem:$0x3FBA] =	sst s10  }
0x35: {  	s10 =	sld [smem:$0x3FB9];
	_ =	sdelay $0x3  }
0x36: {  	p1 =	seq.s32 s10, $0x1;
	s10 =	sld [smem:$0x3FBA];
	_ =	sdelay $0x3  }
0x37: {  	[smem:$0x3FBA] =	sst s10  }
0x38: {  	s10 =	sld [smem:$0x3FBB]  }
0x39: {  	_ = 	snop;
	(pc) =	sbr.ind lr, $3  }
0x3a: {  	_ = 	snop  }
0x3b: {  	_ = 	snop  }
0x3c: {  	p2 =	seq.s32 s10, $0x1;
	s10 =	sld [smem:$0x3FBA]  }
0x3d: {  	_ =	shalt  }
0x3e: {  	_ =	shalt  }
0x3f: {  	_ =	shalt  }
0x40: {  	_ =	shalt  }
0x41: {  	_ =	shalt  }
0x42: {  	_ =	shalt  }
0x43: {  	_ =	shalt  }
0x44: {  	_ =	shalt  }
0x45: {  	_ =	shalt  }
0x46: {  	_ =	shalt  }
0x47: {  	_ =	shalt  }
0x48: {  	_ =	shalt  }
0x49: {  	_ =	shalt  }
0x4a: {  	_ =	shalt  }
0x4b: {  	_ =	shalt  }
0x4c: {  	_ =	shalt  }
0x4d: {  	_ =	shalt  }
0x4e: {  	_ =	shalt  }
0x4f: {  	_ =	shalt  }
0x50: {  	_ =	shalt  }
0x51: {  	_ =	shalt  }
0x52: {  	_ =	shalt  }
0x53: {  	_ =	shalt  }
0x54: {  	_ =	shalt  }
0x55: {  	_ =	shalt  }
0x56: {  	_ =	shalt  }
0x57: {  	_ =	shalt  }
0x58: {  	_ =	shalt  }
0x59: {  	_ =	shalt  }
0x5a: {  	_ =	shalt  }
0x5b: {  	_ =	shalt  }
0x5c: {  	_ =	shalt  }
0x5d: {  	_ =	shalt  }
0x5e: {  	_ =	shalt  }
0x5f: {  	_ =	shalt  }
0x60: {  	_ =	shalt  }
0x61: {  	_ =	shalt  }
0x62: {  	_ =	shalt  }
0x63: {  	_ =	shalt  }
0x64: {  	_ =	shalt  }
0x65: {  	_ =	shalt  }
0x66: {  	_ =	shalt  }
0x67: {  	_ =	shalt  }
0x68: {  	_ =	shalt  }
0x69: {  	_ =	shalt  }
0x6a: {  	_ =	shalt  }
0x6b: {  	_ =	shalt  }
0x6c: {  	_ =	shalt  }
0x6d: {  	_ =	shalt  }
0x6e: {  	_ =	shalt  }
0x6f: {  	_ =	shalt  }
0x70: {  	_ =	shalt  }
0x71: {  	_ =	shalt  }
0x72: {  	_ =	shalt  }
0x73: {  	_ =	shalt  }
0x74: {  	_ =	shalt  }
0x75: {  	_ =	shalt  }
0x76: {  	_ =	shalt  }
0x77: {  	_ =	shalt  }
0x78: {  	_ =	shalt  }
0x79: {  	_ =	shalt  }
0x7a: {  	_ =	shalt  }
0x7b: {  	_ =	shalt  }
0x7c: {  	_ =	shalt  }
0x7d: {  	_ =	shalt  }
0x7e: {  	_ =	shalt  }
0x7f: {  	_ =	shalt  }
0x80: {  	_ =	shalt  }
0x81: {  	_ =	shalt  }
0x82: {  	_ =	shalt  }
0x83: {  	_ =	shalt  }
0x84: {  	_ =	shalt  }
0x85: {  	_ =	shalt  }
0x86: {  	_ =	shalt  }
0x87: {  	_ =	shalt  }
.Lfunc_end0:
.L_simem_size_0:
called_computation_lowered:
.L_overlay_start_0:
0x88: {  	s2 =	sld [smem:$0x3FD9]  }
0x89: {  	s3 =	sld [smem:$0x3FFE];
	_ =	sdelay $0x1  }
0x8a: {  	s1 =	srdreg.scid  }
0x8b: {  	s0 =	sand.u32 $0x1, s1  }
0x8c: {  	s18 =	sshll.u32 s0, $0xA;
	s2 =	sadd.s32 s3, s2  }
0x8d: {  	s2 =	sadd.s32 s2, s18  }
0x8e: {  	[smem:$0x3FC6] =	sst s2  }
0x8f: {  	_ = 	snop  }
0x90: {  	s2 =	sld [smem:$0x3FC8]  }
0x91: {  	s19 =	sld [smem:$0x3FD0];
	(tm) =	ssettm $0x1  }
0x92: {  	s4 =	sld [smem:$0x3FFB];
	_ =	sdelay $0x3  }
0x93: {  	_ =	strace s4  }
0x94: {  	s4 =	sld [smem:$0x3FFC];
	_ =	sdelay $0x3  }
0x95: {  	_ =	strace s4  }
0x96: {  	s4 =	sld [smem:$0x3FFD];
	_ =	sdelay $0x3  }
0x97: {  	_ =	strace s4  }
0x98: {  	_ =	strace $0x8FFFFFFF  }
0x99: {  	s20 =	sld [smem:$0x3FDB];
	_ =	sdelay $0x1  }
0x9a: {  	s5 =	simm.s32 $_scs_section_size  }
0x9b: {  	s6 =	simm.s32 $_size__tile_overlayer_lowered;
	s7 =	simm.s32 $_tile_overlayer_lowered  }
0x9c: {  	s23 =	simm.s32 $0x1BFF;
	s22 =	sshll.u32 s7, $0x1;
	s4 =	sadd.s32 s5, s20  }
0x9d: {  	s8 =	simm.s32 $0x0;
	s21 =	sshll.u32 s6, $0x1;
	s6 =	sadd.s32 s22, s4  }
0x9e: {  	[timem:s8], [sflag:s23] =	dma.local [hbm:s6], s21  }
0x9f: {  	_ =	swait.ge [sflag:s23], s21  }
0xa0: {  	s5 =	ssub.s32 $0x0, s21;
	[sflag:s23] =	ssyncset.done $0x0  }
0xa1: {  	[sflag:s23] =	ssyncadd.s32 s5;
	_ =	sdelay $0x1  }
0xa2: {  	s24 =	simm.s32 $0x1B8B  }
0xa3: {  	_ =	swait.ge [sflag:s24], $0x1  }
0xa4: {  	[sflag:s24] =	ssyncset.done $0x0  }
0xa5: {  	s25 =	simm.s32 $0x1B8E;
	[sflag:s24] =	ssyncadd.s32 $0xFFFFFFFF  }
0xa6: {  	s26 =	simm.s32 $execute0_lowered;
	[smem:$0x3FD2] =	sst s25  }
0xa7: {  	s5 =	sshll.u32 s26, $0x1;
	_ =	strace $0x80000046;
	[dreg:$0x1] =	wrdreg $0xFFFFFFFF  }
0xa8: {  	s28 =	simm.s32 $_size_execute0_lowered;
	s4 =	sadd.s32 s4, s5;
	[dreg:$0x0] =	wrdreg $0x0  }
0xa9: {  	s5 =	sshll.u32 s28, $0x1;
	[dreg:$0x2] =	wrdreg s4  }
0xaa: {  	[dreg:$0x3] =	wrdreg s5  }
0xab: {  	[dreg:$0x4] =	wrdreg $0xC0  }
0xac: {  	_ =	task [dreg:s8], $0x5FFFF  }
0xad: {  	[dreg:$0x1] =	wrdreg $0xFFFFFFFF  }
0xae: {  	[dreg:$0x0] =	wrdreg $0x60  }
0xaf: {  	[dreg:$0x2] =	wrdreg s2  }
0xb0: {  	[dreg:$0x3] =	wrdreg s19  }
0xb1: {  	[dreg:$0x4] =	wrdreg $0x9  }
0xb2: {  	_ =	task.clear_ibuf [dreg:s8], $0x5FFFF;
	_ =	strace $0x90000046  }
0xb3: {  	s29 =	simm.s32 $0x9;
	_ =	strace $0x80000048  }
0xb4: {  	_ =	swait.ge [sflag:s29], $0x1  }
0xb5: {  	[sflag:s29] =	ssyncadd.s32 $0xFFFFFFFF  }
0xb6: {  	_ =	strace $0x90000048  }
0xb7: {  	_ =	sfence  }
0xb8: {  	s30 =	sld [smem:$0x0];
	_ =	sdelay $0x2  }
0xb9: {  	s31 =	sshll.u32 s1, $0xD;
	s1 =	sshrl.u32 s1, $0x2  }
0xba: {  	s3 =	sand.u32 $0x4000, s31;
	s1 =	sadd.s32 s1, s30  }
0xbb: {  	s0 =	sor.u32 s3, s0;
	s1 =	sshll.u32 s1, $0x11  }
0xbc: {  	s0 =	sor.u32 s1, s0  }
0xbd: {  	s0 =	sadd.s32 $0x8F2B, s0  }
0xbe: {  	[sflag:s0] =	ssyncadd.remote.s32 $0x1  }
0xbf: {  	_ =	sfence.sel $0xFFFF  }
0xc0: {  	[dreg:$0x0] =	wrdreg $0xFFFFFFFF;
	(pc) =	sbr.abs _section_cstart, $3  }
0xc1: {  	[dreg:$0x1] =	wrdreg $0xFFFFFFFF  }
0xc2: {  	_ =	task.clear_ibuf [dreg:s8], $0x2FFFF;
	_ =	strace $0x9FFFFFFF  }
0xc3: {  	(tm) =	ssettm $0x7FFFFFFF  }
tec
execute0_lowered:
.L_overlay_start_1:
0x0: {  	(tag) =	ssettag $0x1  }
0x1: {  	s9 =	rddreg [dreg:$0x0]  }
0x2: {  	s2 =	rddreg [dreg:$0x1]  }
0x3: {  	s3 =	srdreg.scid;
	s1 =	stileid.u32  }
0x4: {  	s0 =	rddreg [dreg:$0x2];
	s13 =	simm.s32 $0x7A1400;
	s14 =	simm.s32 $0x8000  }
0x5: {  	s15 =	simm.s32 $0x400;
	s16 =	simm.s32 $0x800;
	s17 =	simm.s32 $0xC00  }
0x6: {  	s18 =	simm.s32 $0x2;
	s19 =	simm.s32 $0x0;
	s10 =	sand.u32 $0x1, s3  }
0x7: {  	s4 =	sshll.u32 s1, $0x1;
	s3 =	simm.s32 $0x0;
	s11 =	sshll.u32 s1, $0xA  }
0x8: {  	s5 =	ssub.s32 $0x2, s10;
	s4 =	sor.u32 s10, s4;
	[smem:$0x7FF] =	sst s3  }
0x9: {  	s11 =	sadd.s32 s11, s9;
	s12 =	sshll.u32 s10, $0x9;
	s10 =	sadd.s32 $0x30, s2  }
0xa: {  	s6 =	sshrl.u32 s5, $0x1;
	s7 =	sshll.u32 s4, $0x9;
	_ =	strace $0x80000047  }
0xb: {  	s11 =	sadd.s32 s12, s11;
	s12 =	simm.s32 $0x1000;
	s8 =	ssub.s32 s5, s6  }
0xc: {  	s5 =	sadd.s32 s9, s7;
	s9 =	sadd.s32 $0x20, s2;
	s11 =	sadd.s32 $0x8000, s11  }
0xd: {  	s6 =	sadd.s32 $0x4000, s5;
	s7 =	smax.u32 s8, $0x1;
	s8 =	sadd.s32 $0x10, s2  }
.LBB2_1:
0xe: {  	[tilespmem:s3], [sflag:$0x1] =	stream.strided.gather [hbm4b:s5+s12], $0x8000, s13, s12, $0x38;
	[tilespmem:$0x18000] =	vst v63  }
0xf: {  	s20 =	sadd.s32 $0x0, s4  }
0x10: {  	p1 =	sgt.u32 s20, $0x7A0  }
0x11: {  	[tilespmem:s14], [sflag:$0x1] =	stream.strided.gather [hbm4b:s6+s12], $0x8000, s13, s12, $0x38;
	[tilespmem:$0x18000] =	vst v63  }
0x12: {  	p2 =	sgt.u32 @!p1 s20, $0x760  }
0x13: {  	s23 =	sadd.s32 $0x20, s4;
	p0 =	por p2, p1  }
0x14: {  	s21 =	simm.s32 @!p1 $0x1;
	p3 =	por p1, p1;
	p4 =	por @!p0 $0x0, $0x0  }
0x15: {  	_ =	swait.ge @!p1 [sflag:s21], $0x8000;
	s22 =	simm.s32 @!p0 $0x2;
	p4 =	por @!p3 !p4, p2  }
0x16: {  	s24 =	simm.s32 @!p0 $0xFFFFFFFF;
	[sflag:s21] =	ssyncset.done @!p3 $0x0;
	p4 =	por !p4, p3  }
0x17: {  	p2 =	sgt.u32 s23, $0x7A0;
	[sflag:s21] =	ssyncadd.s32 @!p3 $0xFFFF8000;
	s22 =	smov.u32 @p4 s24  }
0x18: {  	s21 =	simm.s32 @!p0 $0x7A1400;
	s20 =	simm.s32 @!p2 $0x1;
	s22 =	sshll.u32 @!p0 s22, $0x11  }
0x19: {  	p1 =	sgt.u32 @!p2 s23, $0x760;
	s24 =	simm.s32 @!p0 $0x1000;
	s22 =	sshra.s32 @!p0 s22, $0x2  }
0x1a: {  	[tilespmem:s22], [sflag:$0x1] =	stream.strided.gather @!p0 [hbm4b:s11+s24], $0x8000, s21, s24, $0x38;
	[tilespmem:$0x18000] =	vst v63  }
0x1b: {  	p3 =	por $0x0, $0x0;
	s23 =	simm.s32 $0x40;
	s21 =	simm.s32 $0x1  }
0x1c: {  	p0 =	por p1, p2;
	s22 =	smov.u32 s11;
	s21 =	simm.s32 @p3 $0x0  }
0x1d: {  	_ =	swait.ge @!p2 [sflag:s20], $0x8000;
	p2 =	por p2, p2;
	s24 =	sadd.s32 @!p0 $0x2, s21  }
.LBB2_2:
0x1e: {  	s25 =	sadd.s32 s23, s4;
	p4 =	sgt.s32 @!p0 s24, $0x2  }
0x1f: {  	s22 =	sadd.s32 $0x4000, s22;
	s28 =	sadd.s32 @!p0 $0xFFFFFFFF, s21;
	s21 =	sadd.s32 $0x1, s21  }
0x20: {  	s23 =	sadd.s32 $0x20, s23;
	p3 =	sgt.u32 s25, $0x7A0;
	p1 =	por @!p2 !p4, p1  }
0x21: {  	s26 =	simm.s32 @!p3 $0x1;
	p4 =	por !p1, p2;
	p1 =	sgt.u32 @!p3 s25, $0x760  }
0x22: {  	s25 =	simm.s32 @!p0 $0x1000;
	s24 =	smov.u32 @p4 s28;
	s28 =	simm.s32 @!p0 $0x7A1400  }
0x23: {  	p4 =	sne.s32 s23, $0x7C0;
	[sflag:s20] =	ssyncset.done @!p2 $0x0;
	s24 =	sshll.u32 @!p0 s24, $0x11  }
.Ltmp0:
0x24: {  	[sflag:s20] =	ssyncadd.s32 @!p2 $0xFFFF8000;
	s20 =	sshra.s32 @!p0 s24, $0x2;
	(pc) =	sbr.rel @p4 .LBB2_2-.Ltmp0, $4  }
0x25: {  	[tilespmem:s20], [sflag:$0x1] =	stream.strided.gather @!p0 [hbm4b:s22+s25], $0x8000, s28, s25, $0x38;
	[tilespmem:$0x18000] =	vst v63  }
0x26: {  	p2 =	sgt.s32 s21, $0x2;
	_ =	swait.ge @!p3 [sflag:s26], $0x8000  }
0x27: {  	p0 =	por p1, p3;
	s21 =	simm.s32 @p2 $0x0  }
0x28: {  	s20 =	smov.u32 s26;
	p2 =	por p3, p3;
	s24 =	sadd.s32 @!p0 $0x2, s21  }
0x29: {  	p3 =	sgt.s32 @!p0 s24, $0x2  }
0x2a: {  	p1 =	por @!p2 !p3, p1  }
0x2b: {  	s21 =	sadd.s32 @!p0 $0xFFFFFFFF, s21;
	p1 =	por !p1, p2  }
0x2c: {  	[sflag:s20] =	ssyncset.done @!p2 $0x0;
	s24 =	smov.u32 @p1 s21  }
0x2d: {  	s22 =	sadd.s32 $0x4000, s22;
	[sflag:s20] =	ssyncadd.s32 @!p2 $0xFFFF8000;
	s23 =	sshll.u32 @!p0 s24, $0x11  }
0x2e: {  	s21 =	simm.s32 @!p0 $0x1000;
	s24 =	simm.s32 @!p0 $0x7A1400;
	s20 =	sshra.s32 @!p0 s23, $0x2  }
0x2f: {  	[tilespmem:s20], [sflag:$0x1] =	stream.strided.gather @!p0 [hbm4b:s22+s21], $0x8000, s24, s21, $0x38;
	[tilespmem:$0x18000] =	vst v63  }
0x30: {  	_ = 	snop  }
0x31: {  	[hbm4b:s2+s3] =	stream.linear.scatter [tilespmem:s3], [sflag:$0x2], $0x80, $0x38;
	[tilespmem:$0x18000] =	vst v63  }
0x32: {  	s19 =	sadd.s32 $0x1, s19  }
0x33: {  	[hbm4b:s8+s3] =	stream.linear.scatter [tilespmem:s15], [sflag:$0x2], $0x80, $0x38;
	[tilespmem:$0x18000] =	vst v63  }
0x34: {  	p0 =	sne.s32 s19, s7  }
0x35: {  	[hbm4b:s9+s3] =	stream.linear.scatter [tilespmem:s16], [sflag:$0x2], $0x80, $0x38;
	[tilespmem:$0x18000] =	vst v63  }
.Ltmp1:
0x36: {  	_ = 	snop;
	(pc) =	sbr.rel @p0 .LBB2_1-.Ltmp1, $4  }
0x37: {  	[hbm4b:s10+s3] =	stream.linear.scatter [tilespmem:s17], [sflag:$0x2], $0x80, $0x38;
	[tilespmem:$0x18000] =	vst v63  }
0x38: {  	_ =	swait.ge [sflag:s18], $0x200  }
0x39: {  	[sflag:s18] =	ssyncset.done $0x0  }
0x3a: {  	[sflag:s18] =	ssyncadd.s32 $0xFFFFFE00  }
0x3b: {  	_ =	sfence.sel $0x180000  }
0x3c: {  	[bflag:$0x0] =	sbarrier.arrive $0xFFFF  }
0x3d: {  	p0 =	sne.s32 s1, $0x0;
	_ =	strace $0x90000047  }
0x3e: {  	s0 =	sadd.s32 @!p0 $0x100000, s0;
	[bflag:$0x2] =	sbarrier.arrive $0xFFFF  }
0x3f: {  	[sflag:s0] =	ssyncadd.tile.s32 @!p0 $0x1;
	_ =	shalt  }
.Lfunc_end2:
_tile_overlayer_lowered:
.L_overlay_start_2:
0x40: {  	(tag) =	ssettag $0x2  }
0x41: {  	s0 =	rddreg [dreg:$0x0];
	s2 =	stileid.u32  }
0x42: {  	s1 =	rddreg [dreg:$0x1];
	p0 =	sne.s32 s2, $0x0  }
0x43: {  	s3 =	rddreg [dreg:$0x2];
	[bflag:$0x3] =	sbarrier.arrive $0xFFFF;
	s2 =	simm.s32 @!p0 $0x1C02  }
0x44: {  	[timem:s3], [sflag:s2] =	dma.local @!p0 [hbm:s0], s1  }
0x45: {  	s0 =	simm.s32 @!p0 $0x2  }
0x46: {  	_ =	swait.ge @!p0 [sflag:s0], s1  }
0x47: {  	s1 =	ssub.s32 @!p0 $0x0, s1;
	[sflag:s0] =	ssyncset.done @!p0 $0x0  }
0x48: {  	[sflag:s0] =	ssyncadd.s32 @!p0 s1  }
0x49: {  	[bflag:$0x3] =	sbarrier.arrive $0xFFFF  }
0x4a: {  	_ =	shalt  }

</sc_bundles>
